<compile_context>
chip_gen: v7x
topology: tpu7x:2x2x1
jax: 0.10.2.dev20260603
libtpu: 0.0.44.dev20260713+nightly
codegen_flags: <defaults>
</compile_context>

<pallas_src>
import functools

import jax
import jax.numpy as jnp
from jax import lax
from jax.experimental import pallas as pl
from jax.experimental.pallas import tpu as pltpu
from jax.experimental.pallas import tpu_sc as plsc

N = 1000000
D = 16
C = 4
H = 512
W = 512
M = H * W

NC = 2
NS = 16
NW = NC * NS
BPW = M // NW
CH = 2048
NCHUNK = BPW // CH


def _sc_gather(ids, table):
    mesh = plsc.VectorSubcoreMesh(
        core_axis_name="c", subcore_axis_name="s", num_cores=NC, num_subcores=NS
    )

    @functools.partial(
        pl.kernel,
        out_type=jax.ShapeDtypeStruct((M, D), jnp.float32),
        mesh=mesh,
        scratch_types=[
            pltpu.VMEM((CH,), jnp.int32),
            pltpu.VMEM((CH, D), jnp.float32),
            pltpu.SemaphoreType.DMA,
        ],
        compiler_params=pltpu.CompilerParams(use_tc_tiling_on_sc=False),
    )
    def k(ids_hbm, table_hbm, out_hbm, idx_v, rows_v, sem):
        wid = lax.axis_index("s") * NC + lax.axis_index("c")
        base = wid * BPW
        for c in range(NCHUNK):
            off = base + c * CH
            pltpu.sync_copy(ids_hbm.at[pl.ds(off, CH)], idx_v)
            pltpu.async_copy(table_hbm.at[idx_v], rows_v, sem).wait()
            pltpu.sync_copy(rows_v, out_hbm.at[pl.ds(off, CH)])

    return k(ids, table)


BH = 8
RB = BH * W // 8


def _head_body(raw_ref, w_ref, kmat_ref, h2_ref, b_ref, emb_ref, log_ref):
    x = raw_ref[...]
    wexp = jnp.dot(w_ref[...], kmat_ref[...],
                   preferred_element_type=jnp.float32,
                   precision=lax.Precision.HIGHEST)
    e = x * wexp
    emb_ref[...] = e
    lp = jnp.dot(e, h2_ref[...], preferred_element_type=jnp.float32,
                 precision=lax.Precision.HIGHEST) + b_ref[...]
    l3 = lp.reshape(BH, 64, 8, C).transpose(0, 3, 1, 2).reshape(BH, C, W)
    log_ref[...] = l3


def _tc_head(raw8, w8, kmat, h2, b2):
    return pl.pallas_call(
        _head_body,
        grid=(H // BH,),
        in_specs=[
            pl.BlockSpec((RB, 128), lambda i: (i, 0)),
            pl.BlockSpec((RB, 8), lambda i: (i, 0)),
            pl.BlockSpec((8, 128), lambda i: (0, 0)),
            pl.BlockSpec((128, 32), lambda i: (0, 0)),
            pl.BlockSpec((1, 32), lambda i: (0, 0)),
        ],
        out_specs=[
            pl.BlockSpec((RB, 128), lambda i: (i, 0)),
            pl.BlockSpec((BH, C, W), lambda i: (i, 0, 0)),
        ],
        out_shape=[
            jax.ShapeDtypeStruct((M // 8, 128), jnp.float32),
            jax.ShapeDtypeStruct((H, C, W), jnp.float32),
        ],
    )(raw8, w8, kmat, h2, b2)


def kernel(weights, gaussian_ids, semantic_features, head_w, head_b):
    ids = gaussian_ids.astype(jnp.int32)
    raw = _sc_gather(ids, semantic_features)
    raw8 = raw.reshape(M // 8, 128)
    kmat = jnp.kron(jnp.eye(8, dtype=jnp.float32),
                    jnp.ones((1, 16), jnp.float32))
    h2 = jnp.kron(jnp.eye(8, dtype=jnp.float32), head_w.T)
    b2 = jnp.tile(head_b, 8).reshape(1, 32)
    emb8, log3 = _tc_head(raw8, weights.reshape(M // 8, 8), kmat, h2, b2)
    return emb8.reshape(H, W, D), log3.transpose(0, 2, 1)

# --- scband reference (transcript-rebuilt; emitter-appended) ---
"""Pipeline reference for scband-gaussian-model-40913858462127 (READ-ONLY COPY).

The authoritative reference and input builder live on the scoring server;
editing this copy changes nothing except your own understanding.
"""

import jax, jax.numpy as jnp
import numpy as np

N = 1000000
D = 16
C = 4
H = 512
W = 512
M = H * W

def setup_inputs(seed: int = 0) -> dict:
    key = jax.random.key(seed)
    k1, k2, k3, k4 = jax.random.split(key, 4)
    weights = jax.random.uniform(k1, (M,), dtype=jnp.float32)
    gaussian_ids = jax.random.randint(k2, (M,), 0, N, dtype=jnp.int64 if jax.config.jax_enable_x64 else jnp.int32)
    semantic_features = jax.random.normal(k3, (N, D), dtype=jnp.float32) * 0.01
    head_w = jax.random.normal(k4, (C, D), dtype=jnp.float32) * (1.0 / np.sqrt(D))
    head_b = jnp.zeros((C,), dtype=jnp.float32)
    return {"weights": weights, "gaussian_ids": gaussian_ids,
            "semantic_features": semantic_features,
            "head_w": head_w, "head_b": head_b}

def reference(weights, gaussian_ids, semantic_features, head_w, head_b):
    # aggregate_semantic_embeddings: gather per-contribution embeddings, scale by raster weights
    contrib = jnp.take(semantic_features, gaussian_ids, axis=0) * weights[:, None]  # [M, D]
    sem_embed = contrib.reshape(H, W, D)
    # semantic_logits_from_embedding: linear head per pixel
    flat = sem_embed.reshape(-1, D)
    logits = flat @ head_w.T + head_b
    sem_logits = logits.reshape(H, W, C)
    return (sem_embed, sem_logits)

if __name__ == "__main__":
    import jax
    _d = setup_inputs()
    print(jax.jit(kernel)(*tuple(_d.values())))

</pallas_src>

<mosaic_0001>
#map = affine_map<(d0, d1) -> (0)>
#map1 = affine_map<(d0, d1) -> (0, 0)>
module attributes {stable_mosaic.version = 14 : i64} {
  func.func @k(%arg0: i32, %arg1: i32, %arg2: memref<262144xi32, #tpu.memory_space<hbm>>, %arg3: memref<1000000x16xf32, #tpu.memory_space<hbm>>, %arg4: memref<262144x16xf32, #tpu.memory_space<hbm>>, %arg5: memref<2048xi32, #tpu.memory_space<vmem>>, %arg6: memref<2048x16xf32, #tpu.memory_space<vmem>>, %arg7: memref<!tpu.dma_semaphore, #tpu.memory_space<semaphore_mem>>) attributes {dimension_semantics = [#tpu.dimension_semantics<core_parallel>, #tpu.dimension_semantics<subcore_parallel>], iteration_bounds = array<i64: 2, 16>, scalar_prefetch = 0 : i64, scratch_operands = 3 : i64, tpu.core_type = #tpu.core_type<sc_vector_subcore>, window_params = [{transform_indices = #map}, {transform_indices = #map1}, {transform_indices = #map1}]} {
    %mul3A = arith.constant 2 : i32
    %mul3A_0 = arith.muli %arg1, %mul3A : i32
    %add3A = arith.addi %mul3A_0, %arg0 : i32
    %mul3A_1 = arith.constant 8192 : i32
    %mul3A_2 = arith.muli %add3A, %mul3A_1 : i32
    %add3A_3 = arith.constant 0 : i32
    %add3A_4 = arith.addi %mul3A_2, %add3A_3 : i32
    "tpu.region"() ({
      %run_scoped3A = tpu.sem_alloc : memref<!tpu.dma_semaphore, #tpu.memory_space<semaphore_mem>>
      %dma_start3A_33 = tpu.memref_slice %arg2[%add3A_4] : memref<262144xi32, #tpu.memory_space<hbm>> -> memref<2048xi32, #tpu.memory_space<hbm>>
      %dma_start3A_34 = tpu.memref_slice %arg2[%add3A_4] : memref<262144xi32, #tpu.memory_space<hbm>> -> memref<2048xi32, #tpu.memory_space<hbm>>
      tpu.enqueue_dma source(%dma_start3A_34 : memref<2048xi32, #tpu.memory_space<hbm>>) target(%arg5 : memref<2048xi32, #tpu.memory_space<vmem>>) target_semaphore(%run_scoped3A : memref<!tpu.dma_semaphore, #tpu.memory_space<semaphore_mem>>)
      %dma_wait3A_35 = tpu.memref_slice %arg2[%add3A_4] : memref<262144xi32, #tpu.memory_space<hbm>> -> memref<2048xi32, #tpu.memory_space<hbm>>
      %dma_wait3A_36 = tpu.memref_slice %arg2[%add3A_4] : memref<262144xi32, #tpu.memory_space<hbm>> -> memref<2048xi32, #tpu.memory_space<hbm>>
      tpu.wait_dma2 semaphore(%run_scoped3A : memref<!tpu.dma_semaphore, #tpu.memory_space<semaphore_mem>>) src(%dma_wait3A_36 : memref<2048xi32, #tpu.memory_space<hbm>>) dst(%arg5 : memref<2048xi32, #tpu.memory_space<vmem>>)
      tpu.yield
    }) : () -> ()
    %dma_start3A = arith.constant 0 : i32
    %dma_start3A_5 = arith.constant 0 : i32
    %dma_start3A_6 = tpu.memref_slice %arg3[%dma_start3A, %dma_start3A_5] : memref<1000000x16xf32, #tpu.memory_space<hbm>> -> memref<1000000x16xf32, #tpu.memory_space<hbm>>
    tpu.enqueue_indirect_dma source(%dma_start3A_6 : memref<1000000x16xf32, #tpu.memory_space<hbm>>) target(%arg6 : memref<2048x16xf32, #tpu.memory_space<vmem>>) offsets(%arg5 : memref<2048xi32, #tpu.memory_space<vmem>>) semaphore(%arg7 : memref<!tpu.dma_semaphore, #tpu.memory_space<semaphore_mem>>)
    %dma_wait3A = arith.constant 0 : i32
    %dma_wait3A_7 = arith.constant 0 : i32
    %dma_wait3A_8 = tpu.memref_slice %arg3[%dma_wait3A, %dma_wait3A_7] : memref<1000000x16xf32, #tpu.memory_space<hbm>> -> memref<1000000x16xf32, #tpu.memory_space<hbm>>
    tpu.wait_indirect_dma semaphore(%arg7 : memref<!tpu.dma_semaphore, #tpu.memory_space<semaphore_mem>>) src(%dma_wait3A_8 : memref<1000000x16xf32, #tpu.memory_space<hbm>>) dst(%arg6 : memref<2048x16xf32, #tpu.memory_space<vmem>>)
    "tpu.region"() ({
      %run_scoped3A = tpu.sem_alloc : memref<!tpu.dma_semaphore, #tpu.memory_space<semaphore_mem>>
      %dma_start3A_33 = arith.constant 0 : i32
      %dma_start3A_34 = tpu.memref_slice %arg4[%add3A_4, %dma_start3A_33] : memref<262144x16xf32, #tpu.memory_space<hbm>> -> memref<2048x16xf32, #tpu.memory_space<hbm>>
      %dma_start3A_35 = arith.constant 0 : i32
      %dma_start3A_36 = tpu.memref_slice %arg4[%add3A_4, %dma_start3A_35] : memref<262144x16xf32, #tpu.memory_space<hbm>> -> memref<2048x16xf32, #tpu.memory_space<hbm>>
      tpu.enqueue_dma source(%arg6 : memref<2048x16xf32, #tpu.memory_space<vmem>>) target(%dma_start3A_36 : memref<2048x16xf32, #tpu.memory_space<hbm>>) target_semaphore(%run_scoped3A : memref<!tpu.dma_semaphore, #tpu.memory_space<semaphore_mem>>)
      %dma_wait3A_37 = arith.constant 0 : i32
      %dma_wait3A_38 = tpu.memref_slice %arg4[%add3A_4, %dma_wait3A_37] : memref<262144x16xf32, #tpu.memory_space<hbm>> -> memref<2048x16xf32, #tpu.memory_space<hbm>>
      %dma_wait3A_39 = arith.constant 0 : i32
      %dma_wait3A_40 = tpu.memref_slice %arg4[%add3A_4, %dma_wait3A_39] : memref<262144x16xf32, #tpu.memory_space<hbm>> -> memref<2048x16xf32, #tpu.memory_space<hbm>>
      tpu.wait_dma2 semaphore(%run_scoped3A : memref<!tpu.dma_semaphore, #tpu.memory_space<semaphore_mem>>) src(%arg6 : memref<2048x16xf32, #tpu.memory_space<vmem>>) dst(%dma_wait3A_40 : memref<2048x16xf32, #tpu.memory_space<hbm>>)
      tpu.yield
    }) : () -> ()
    %add3A_9 = arith.constant 2048 : i32
    %add3A_10 = arith.addi %mul3A_2, %add3A_9 : i32
    "tpu.region"() ({
      %run_scoped3A = tpu.sem_alloc : memref<!tpu.dma_semaphore, #tpu.memory_space<semaphore_mem>>
      %dma_start3A_33 = tpu.memref_slice %arg2[%add3A_10] : memref<262144xi32, #tpu.memory_space<hbm>> -> memref<2048xi32, #tpu.memory_space<hbm>>
      %dma_start3A_34 = tpu.memref_slice %arg2[%add3A_10] : memref<262144xi32, #tpu.memory_space<hbm>> -> memref<2048xi32, #tpu.memory_space<hbm>>
      tpu.enqueue_dma source(%dma_start3A_34 : memref<2048xi32, #tpu.memory_space<hbm>>) target(%arg5 : memref<2048xi32, #tpu.memory_space<vmem>>) target_semaphore(%run_scoped3A : memref<!tpu.dma_semaphore, #tpu.memory_space<semaphore_mem>>)
      %dma_wait3A_35 = tpu.memref_slice %arg2[%add3A_10] : memref<262144xi32, #tpu.memory_space<hbm>> -> memref<2048xi32, #tpu.memory_space<hbm>>
      %dma_wait3A_36 = tpu.memref_slice %arg2[%add3A_10] : memref<262144xi32, #tpu.memory_space<hbm>> -> memref<2048xi32, #tpu.memory_space<hbm>>
      tpu.wait_dma2 semaphore(%run_scoped3A : memref<!tpu.dma_semaphore, #tpu.memory_space<semaphore_mem>>) src(%dma_wait3A_36 : memref<2048xi32, #tpu.memory_space<hbm>>) dst(%arg5 : memref<2048xi32, #tpu.memory_space<vmem>>)
      tpu.yield
    }) : () -> ()
    %dma_start3A_11 = arith.constant 0 : i32
    %dma_start3A_12 = arith.constant 0 : i32
    %dma_start3A_13 = tpu.memref_slice %arg3[%dma_start3A_11, %dma_start3A_12] : memref<1000000x16xf32, #tpu.memory_space<hbm>> -> memref<1000000x16xf32, #tpu.memory_space<hbm>>
    tpu.enqueue_indirect_dma source(%dma_start3A_13 : memref<1000000x16xf32, #tpu.memory_space<hbm>>) target(%arg6 : memref<2048x16xf32, #tpu.memory_space<vmem>>) offsets(%arg5 : memref<2048xi32, #tpu.memory_space<vmem>>) semaphore(%arg7 : memref<!tpu.dma_semaphore, #tpu.memory_space<semaphore_mem>>)
    %dma_wait3A_14 = arith.constant 0 : i32
    %dma_wait3A_15 = arith.constant 0 : i32
    %dma_wait3A_16 = tpu.memref_slice %arg3[%dma_wait3A_14, %dma_wait3A_15] : memref<1000000x16xf32, #tpu.memory_space<hbm>> -> memref<1000000x16xf32, #tpu.memory_space<hbm>>
    tpu.wait_indirect_dma semaphore(%arg7 : memref<!tpu.dma_semaphore, #tpu.memory_space<semaphore_mem>>) src(%dma_wait3A_16 : memref<1000000x16xf32, #tpu.memory_space<hbm>>) dst(%arg6 : memref<2048x16xf32, #tpu.memory_space<vmem>>)
    "tpu.region"() ({
      %run_scoped3A = tpu.sem_alloc : memref<!tpu.dma_semaphore, #tpu.memory_space<semaphore_mem>>
      %dma_start3A_33 = arith.constant 0 : i32
      %dma_start3A_34 = tpu.memref_slice %arg4[%add3A_10, %dma_start3A_33] : memref<262144x16xf32, #tpu.memory_space<hbm>> -> memref<2048x16xf32, #tpu.memory_space<hbm>>
      %dma_start3A_35 = arith.constant 0 : i32
      %dma_start3A_36 = tpu.memref_slice %arg4[%add3A_10, %dma_start3A_35] : memref<262144x16xf32, #tpu.memory_space<hbm>> -> memref<2048x16xf32, #tpu.memory_space<hbm>>
      tpu.enqueue_dma source(%arg6 : memref<2048x16xf32, #tpu.memory_space<vmem>>) target(%dma_start3A_36 : memref<2048x16xf32, #tpu.memory_space<hbm>>) target_semaphore(%run_scoped3A : memref<!tpu.dma_semaphore, #tpu.memory_space<semaphore_mem>>)
      %dma_wait3A_37 = arith.constant 0 : i32
      %dma_wait3A_38 = tpu.memref_slice %arg4[%add3A_10, %dma_wait3A_37] : memref<262144x16xf32, #tpu.memory_space<hbm>> -> memref<2048x16xf32, #tpu.memory_space<hbm>>
      %dma_wait3A_39 = arith.constant 0 : i32
      %dma_wait3A_40 = tpu.memref_slice %arg4[%add3A_10, %dma_wait3A_39] : memref<262144x16xf32, #tpu.memory_space<hbm>> -> memref<2048x16xf32, #tpu.memory_space<hbm>>
      tpu.wait_dma2 semaphore(%run_scoped3A : memref<!tpu.dma_semaphore, #tpu.memory_space<semaphore_mem>>) src(%arg6 : memref<2048x16xf32, #tpu.memory_space<vmem>>) dst(%dma_wait3A_40 : memref<2048x16xf32, #tpu.memory_space<hbm>>)
      tpu.yield
    }) : () -> ()
    %add3A_17 = arith.constant 4096 : i32
    %add3A_18 = arith.addi %mul3A_2, %add3A_17 : i32
    "tpu.region"() ({
      %run_scoped3A = tpu.sem_alloc : memref<!tpu.dma_semaphore, #tpu.memory_space<semaphore_mem>>
      %dma_start3A_33 = tpu.memref_slice %arg2[%add3A_18] : memref<262144xi32, #tpu.memory_space<hbm>> -> memref<2048xi32, #tpu.memory_space<hbm>>
      %dma_start3A_34 = tpu.memref_slice %arg2[%add3A_18] : memref<262144xi32, #tpu.memory_space<hbm>> -> memref<2048xi32, #tpu.memory_space<hbm>>
      tpu.enqueue_dma source(%dma_start3A_34 : memref<2048xi32, #tpu.memory_space<hbm>>) target(%arg5 : memref<2048xi32, #tpu.memory_space<vmem>>) target_semaphore(%run_scoped3A : memref<!tpu.dma_semaphore, #tpu.memory_space<semaphore_mem>>)
      %dma_wait3A_35 = tpu.memref_slice %arg2[%add3A_18] : memref<262144xi32, #tpu.memory_space<hbm>> -> memref<2048xi32, #tpu.memory_space<hbm>>
      %dma_wait3A_36 = tpu.memref_slice %arg2[%add3A_18] : memref<262144xi32, #tpu.memory_space<hbm>> -> memref<2048xi32, #tpu.memory_space<hbm>>
      tpu.wait_dma2 semaphore(%run_scoped3A : memref<!tpu.dma_semaphore, #tpu.memory_space<semaphore_mem>>) src(%dma_wait3A_36 : memref<2048xi32, #tpu.memory_space<hbm>>) dst(%arg5 : memref<2048xi32, #tpu.memory_space<vmem>>)
      tpu.yield
    }) : () -> ()
    %dma_start3A_19 = arith.constant 0 : i32
    %dma_start3A_20 = arith.constant 0 : i32
    %dma_start3A_21 = tpu.memref_slice %arg3[%dma_start3A_19, %dma_start3A_20] : memref<1000000x16xf32, #tpu.memory_space<hbm>> -> memref<1000000x16xf32, #tpu.memory_space<hbm>>
    tpu.enqueue_indirect_dma source(%dma_start3A_21 : memref<1000000x16xf32, #tpu.memory_space<hbm>>) target(%arg6 : memref<2048x16xf32, #tpu.memory_space<vmem>>) offsets(%arg5 : memref<2048xi32, #tpu.memory_space<vmem>>) semaphore(%arg7 : memref<!tpu.dma_semaphore, #tpu.memory_space<semaphore_mem>>)
    %dma_wait3A_22 = arith.constant 0 : i32
    %dma_wait3A_23 = arith.constant 0 : i32
    %dma_wait3A_24 = tpu.memref_slice %arg3[%dma_wait3A_22, %dma_wait3A_23] : memref<1000000x16xf32, #tpu.memory_space<hbm>> -> memref<1000000x16xf32, #tpu.memory_space<hbm>>
    tpu.wait_indirect_dma semaphore(%arg7 : memref<!tpu.dma_semaphore, #tpu.memory_space<semaphore_mem>>) src(%dma_wait3A_24 : memref<1000000x16xf32, #tpu.memory_space<hbm>>) dst(%arg6 : memref<2048x16xf32, #tpu.memory_space<vmem>>)
    "tpu.region"() ({
      %run_scoped3A = tpu.sem_alloc : memref<!tpu.dma_semaphore, #tpu.memory_space<semaphore_mem>>
      %dma_start3A_33 = arith.constant 0 : i32
      %dma_start3A_34 = tpu.memref_slice %arg4[%add3A_18, %dma_start3A_33] : memref<262144x16xf32, #tpu.memory_space<hbm>> -> memref<2048x16xf32, #tpu.memory_space<hbm>>
      %dma_start3A_35 = arith.constant 0 : i32
      %dma_start3A_36 = tpu.memref_slice %arg4[%add3A_18, %dma_start3A_35] : memref<262144x16xf32, #tpu.memory_space<hbm>> -> memref<2048x16xf32, #tpu.memory_space<hbm>>
      tpu.enqueue_dma source(%arg6 : memref<2048x16xf32, #tpu.memory_space<vmem>>) target(%dma_start3A_36 : memref<2048x16xf32, #tpu.memory_space<hbm>>) target_semaphore(%run_scoped3A : memref<!tpu.dma_semaphore, #tpu.memory_space<semaphore_mem>>)
      %dma_wait3A_37 = arith.constant 0 : i32
      %dma_wait3A_38 = tpu.memref_slice %arg4[%add3A_18, %dma_wait3A_37] : memref<262144x16xf32, #tpu.memory_space<hbm>> -> memref<2048x16xf32, #tpu.memory_space<hbm>>
      %dma_wait3A_39 = arith.constant 0 : i32
      %dma_wait3A_40 = tpu.memref_slice %arg4[%add3A_18, %dma_wait3A_39] : memref<262144x16xf32, #tpu.memory_space<hbm>> -> memref<2048x16xf32, #tpu.memory_space<hbm>>
      tpu.wait_dma2 semaphore(%run_scoped3A : memref<!tpu.dma_semaphore, #tpu.memory_space<semaphore_mem>>) src(%arg6 : memref<2048x16xf32, #tpu.memory_space<vmem>>) dst(%dma_wait3A_40 : memref<2048x16xf32, #tpu.memory_space<hbm>>)
      tpu.yield
    }) : () -> ()
    %add3A_25 = arith.constant 6144 : i32
    %add3A_26 = arith.addi %mul3A_2, %add3A_25 : i32
    "tpu.region"() ({
      %run_scoped3A = tpu.sem_alloc : memref<!tpu.dma_semaphore, #tpu.memory_space<semaphore_mem>>
      %dma_start3A_33 = tpu.memref_slice %arg2[%add3A_26] : memref<262144xi32, #tpu.memory_space<hbm>> -> memref<2048xi32, #tpu.memory_space<hbm>>
      %dma_start3A_34 = tpu.memref_slice %arg2[%add3A_26] : memref<262144xi32, #tpu.memory_space<hbm>> -> memref<2048xi32, #tpu.memory_space<hbm>>
      tpu.enqueue_dma source(%dma_start3A_34 : memref<2048xi32, #tpu.memory_space<hbm>>) target(%arg5 : memref<2048xi32, #tpu.memory_space<vmem>>) target_semaphore(%run_scoped3A : memref<!tpu.dma_semaphore, #tpu.memory_space<semaphore_mem>>)
      %dma_wait3A_35 = tpu.memref_slice %arg2[%add3A_26] : memref<262144xi32, #tpu.memory_space<hbm>> -> memref<2048xi32, #tpu.memory_space<hbm>>
      %dma_wait3A_36 = tpu.memref_slice %arg2[%add3A_26] : memref<262144xi32, #tpu.memory_space<hbm>> -> memref<2048xi32, #tpu.memory_space<hbm>>
      tpu.wait_dma2 semaphore(%run_scoped3A : memref<!tpu.dma_semaphore, #tpu.memory_space<semaphore_mem>>) src(%dma_wait3A_36 : memref<2048xi32, #tpu.memory_space<hbm>>) dst(%arg5 : memref<2048xi32, #tpu.memory_space<vmem>>)
      tpu.yield
    }) : () -> ()
    %dma_start3A_27 = arith.constant 0 : i32
    %dma_start3A_28 = arith.constant 0 : i32
    %dma_start3A_29 = tpu.memref_slice %arg3[%dma_start3A_27, %dma_start3A_28] : memref<1000000x16xf32, #tpu.memory_space<hbm>> -> memref<1000000x16xf32, #tpu.memory_space<hbm>>
    tpu.enqueue_indirect_dma source(%dma_start3A_29 : memref<1000000x16xf32, #tpu.memory_space<hbm>>) target(%arg6 : memref<2048x16xf32, #tpu.memory_space<vmem>>) offsets(%arg5 : memref<2048xi32, #tpu.memory_space<vmem>>) semaphore(%arg7 : memref<!tpu.dma_semaphore, #tpu.memory_space<semaphore_mem>>)
    %dma_wait3A_30 = arith.constant 0 : i32
    %dma_wait3A_31 = arith.constant 0 : i32
    %dma_wait3A_32 = tpu.memref_slice %arg3[%dma_wait3A_30, %dma_wait3A_31] : memref<1000000x16xf32, #tpu.memory_space<hbm>> -> memref<1000000x16xf32, #tpu.memory_space<hbm>>
    tpu.wait_indirect_dma semaphore(%arg7 : memref<!tpu.dma_semaphore, #tpu.memory_space<semaphore_mem>>) src(%dma_wait3A_32 : memref<1000000x16xf32, #tpu.memory_space<hbm>>) dst(%arg6 : memref<2048x16xf32, #tpu.memory_space<vmem>>)
    "tpu.region"() ({
      %run_scoped3A = tpu.sem_alloc : memref<!tpu.dma_semaphore, #tpu.memory_space<semaphore_mem>>
      %dma_start3A_33 = arith.constant 0 : i32
      %dma_start3A_34 = tpu.memref_slice %arg4[%add3A_26, %dma_start3A_33] : memref<262144x16xf32, #tpu.memory_space<hbm>> -> memref<2048x16xf32, #tpu.memory_space<hbm>>
      %dma_start3A_35 = arith.constant 0 : i32
      %dma_start3A_36 = tpu.memref_slice %arg4[%add3A_26, %dma_start3A_35] : memref<262144x16xf32, #tpu.memory_space<hbm>> -> memref<2048x16xf32, #tpu.memory_space<hbm>>
      tpu.enqueue_dma source(%arg6 : memref<2048x16xf32, #tpu.memory_space<vmem>>) target(%dma_start3A_36 : memref<2048x16xf32, #tpu.memory_space<hbm>>) target_semaphore(%run_scoped3A : memref<!tpu.dma_semaphore, #tpu.memory_space<semaphore_mem>>)
      %dma_wait3A_37 = arith.constant 0 : i32
      %dma_wait3A_38 = tpu.memref_slice %arg4[%add3A_26, %dma_wait3A_37] : memref<262144x16xf32, #tpu.memory_space<hbm>> -> memref<2048x16xf32, #tpu.memory_space<hbm>>
      %dma_wait3A_39 = arith.constant 0 : i32
      %dma_wait3A_40 = tpu.memref_slice %arg4[%add3A_26, %dma_wait3A_39] : memref<262144x16xf32, #tpu.memory_space<hbm>> -> memref<2048x16xf32, #tpu.memory_space<hbm>>
      tpu.wait_dma2 semaphore(%run_scoped3A : memref<!tpu.dma_semaphore, #tpu.memory_space<semaphore_mem>>) src(%arg6 : memref<2048x16xf32, #tpu.memory_space<vmem>>) dst(%dma_wait3A_40 : memref<2048x16xf32, #tpu.memory_space<hbm>>)
      tpu.yield
    }) : () -> ()
    return
  }
}

module attributes {stable_mosaic.version = 14 : i64} {
  func.func @_head_body(%arg0: i32, %arg1: memref<512x128xf32, #tpu.memory_space<vmem>>, %arg2: memref<512x8xf32, #tpu.memory_space<vmem>>, %arg3: memref<8x128xf32, #tpu.memory_space<vmem>>, %arg4: memref<128x32xf32, #tpu.memory_space<vmem>>, %arg5: memref<1x32xf32, #tpu.memory_space<vmem>>, %arg6: memref<512x128xf32, #tpu.memory_space<vmem>>, %arg7: memref<8x4x512xf32, #tpu.memory_space<vmem>>) attributes {dimension_semantics = [#tpu.dimension_semantics<arbitrary>], iteration_bounds = array<i64: 64>, scalar_prefetch = 0 : i64, scratch_operands = 0 : i64, tpu.core_type = #tpu.core_type<tc>, window_params = [{transform_indices = @transform_0, window_bounds = array<i64: 512, 128>}, {transform_indices = @transform_1, window_bounds = array<i64: 512, 8>}, {pipeline_mode = #tpu.pipeline_mode<synchronous>, transform_indices = @transform_2, window_bounds = array<i64: 8, 128>}, {pipeline_mode = #tpu.pipeline_mode<synchronous>, transform_indices = @transform_3, window_bounds = array<i64: 128, 32>}, {pipeline_mode = #tpu.pipeline_mode<synchronous>, transform_indices = @transform_4, window_bounds = array<i64: 1, 32>}, {transform_indices = @transform_5, window_bounds = array<i64: 512, 128>}, {transform_indices = @transform_6, window_bounds = array<i64: 8, 4, 512>}]} {
    %get3A = arith.constant 0 : index
    %get3A_0 = arith.constant 0 : index
    %get3A_1 = vector.load %arg1[%get3A, %get3A_0] : memref<512x128xf32, #tpu.memory_space<vmem>>, vector<512x128xf32>
    %get3A_2 = arith.constant 0 : index
    %get3A_3 = arith.constant 0 : index
    %get3A_4 = vector.load %arg2[%get3A_2, %get3A_3] : memref<512x8xf32, #tpu.memory_space<vmem>>, vector<512x8xf32>
    %get3A_5 = arith.constant 0 : index
    %get3A_6 = arith.constant 0 : index
    %get3A_7 = vector.load %arg3[%get3A_5, %get3A_6] : memref<8x128xf32, #tpu.memory_space<vmem>>, vector<8x128xf32>
    %dot_general3A = arith.constant dense<0.000000e+00> : vector<512x128xf32>
    %dot_general3A_8 = tpu.matmul %get3A_4, %get3A_7, %dot_general3A {dimension_numbers = #tpu.dot_dimension_numbers<[1], [0], [0], [1], [0, 0, 1, 1], [], []>, precision = #tpu.contract_precision<fp32>, transpose_lhs_hint = false} : vector<512x8xf32>, vector<8x128xf32>, vector<512x128xf32> -> vector<512x128xf32>
    %mul3A = arith.mulf %get3A_1, %dot_general3A_8 : vector<512x128xf32>
    %swap3A = arith.constant 0 : index
    %swap3A_9 = arith.constant 0 : index
    %swap3A_10 = vector.load %arg6[%swap3A, %swap3A_9] : memref<512x128xf32, #tpu.memory_space<vmem>>, vector<512x128xf32>
    tpu.vector_store %arg6[%swap3A, %swap3A_9], %mul3A {strides = array<i32>} : memref<512x128xf32, #tpu.memory_space<vmem>>, vector<512x128xf32>,
    %get3A_11 = arith.constant 0 : index
    %get3A_12 = arith.constant 0 : index
    %get3A_13 = vector.load %arg4[%get3A_11, %get3A_12] : memref<128x32xf32, #tpu.memory_space<vmem>>, vector<128x32xf32>
    %dot_general3A_14 = arith.constant dense<0.000000e+00> : vector<512x32xf32>
    %dot_general3A_15 = tpu.matmul %mul3A, %get3A_13, %dot_general3A_14 {dimension_numbers = #tpu.dot_dimension_numbers<[1], [0], [0], [1], [0, 0, 1, 1], [], []>, precision = #tpu.contract_precision<fp32>, transpose_lhs_hint = false} : vector<512x128xf32>, vector<128x32xf32>, vector<512x32xf32> -> vector<512x32xf32>
    %get3A_16 = arith.constant 0 : index
    %get3A_17 = arith.constant 0 : index
    %get3A_18 = vector.load %arg5[%get3A_16, %get3A_17] : memref<1x32xf32, #tpu.memory_space<vmem>>, vector<1x32xf32>
    %add3A = vector.broadcast %get3A_18 : vector<1x32xf32> to vector<512x32xf32>
    %add3A_19 = arith.addf %dot_general3A_15, %add3A : vector<512x32xf32>
    %reshape3A = vector.shape_cast %add3A_19 : vector<512x32xf32> to vector<8x64x8x4xf32>
    %transpose3A = tpu.transpose %reshape3A, [0, 3, 1, 2] : vector<8x64x8x4xf32> -> vector<8x4x64x8xf32>
    %reshape3A_20 = vector.shape_cast %transpose3A : vector<8x4x64x8xf32> to vector<8x4x512xf32>
    %swap3A_21 = arith.constant 0 : index
    %swap3A_22 = arith.constant 0 : index
    %swap3A_23 = arith.constant 0 : index
    %swap3A_24 = vector.load %arg7[%swap3A_21, %swap3A_22, %swap3A_23] : memref<8x4x512xf32, #tpu.memory_space<vmem>>, vector<8x4x512xf32>
    tpu.vector_store %arg7[%swap3A_21, %swap3A_22, %swap3A_23], %reshape3A_20 {strides = array<i32>} : memref<8x4x512xf32, #tpu.memory_space<vmem>>, vector<8x4x512xf32>,
    return
  }
  func.func @transform_0(%arg0: i32) -> (i32, i32) {
    %c0_i32 = arith.constant 0 : i32
    %c0_i32_0 = arith.constant 0 : i32
    return %arg0, %c0_i32 : i32, i32
  }
  func.func @transform_1(%arg0: i32) -> (i32, i32) {
    %c0_i32 = arith.constant 0 : i32
    %c0_i32_0 = arith.constant 0 : i32
    return %arg0, %c0_i32 : i32, i32
  }
  func.func @transform_2(%arg0: i32) -> (i32, i32) {
    %c0_i32 = arith.constant 0 : i32
    %c0_i32_0 = arith.constant 0 : i32
    %c0_i32_1 = arith.constant 0 : i32
    return %c0_i32, %c0_i32_0 : i32, i32
  }
  func.func @transform_3(%arg0: i32) -> (i32, i32) {
    %c0_i32 = arith.constant 0 : i32
    %c0_i32_0 = arith.constant 0 : i32
    %c0_i32_1 = arith.constant 0 : i32
    return %c0_i32, %c0_i32_0 : i32, i32
  }
  func.func @transform_4(%arg0: i32) -> (i32, i32) {
    %c0_i32 = arith.constant 0 : i32
    %c0_i32_0 = arith.constant 0 : i32
    %c0_i32_1 = arith.constant 0 : i32
    return %c0_i32, %c0_i32_0 : i32, i32
  }
  func.func @transform_5(%arg0: i32) -> (i32, i32) {
    %c0_i32 = arith.constant 0 : i32
    %c0_i32_0 = arith.constant 0 : i32
    return %arg0, %c0_i32 : i32, i32
  }
  func.func @transform_6(%arg0: i32) -> (i32, i32, i32) {
    %c0_i32 = arith.constant 0 : i32
    %c0_i32_0 = arith.constant 0 : i32
    %c0_i32_1 = arith.constant 0 : i32
    return %arg0, %c0_i32, %c0_i32_0 : i32, i32, i32
  }
}

</mosaic_0001>

<sc_bundles>
// kernel: kernel.4.cloned.1.call-start
scs
__scs_entry_jumppad:
0x0: {  	(pc) =	sbr.rel $0x88, $3  }
0x1: {  	(tag) =	ssettag $0x0;
	lr =	simm.s32 $0x1  }
0x2: {  	[smem:$0x3F9C] =	sst lr;
	_ =	strace $0xD0000000  }
0x3: {  	_ = 	snop  }
0x4: {  	_ = 	snop  }
0x5: {  	_ = 	snop  }
0x6: {  	_ = 	snop  }
0x7: {  	_ = 	snop  }
__scs_overlays_trampoline_lowered:
0x8: {  	[smem:$0x3FAB] =	sst s0  }
0x9: {  	[smem:$0x3FAC] =	sst s1  }
0xa: {  	[smem:$0x3FAD] =	sst s2  }
0xb: {  	[smem:$0x3FAE] =	sst s3  }
0xc: {  	[smem:$0x3FAF] =	sst s4  }
0xd: {  	[smem:$0x3FB0] =	sst s5  }
0xe: {  	[smem:$0x3FB1] =	sst s6  }
0xf: {  	[smem:$0x3FB2] =	sst s7  }
0x10: {  	[smem:$0x3FB3] =	sst s8  }
0x11: {  	[smem:$0x3FB4] =	sst s9;
	s0 =	simm.s32 @!p0 $0x0  }
0x12: {  	s1 =	sld [smem:$0x3F9A];
	s0 =	simm.s32 @p0 $0x1  }
0x13: {  	[smem:$0x3FB5] =	sst s0;
	s0 =	simm.s32 @!p1 $0x0  }
0x14: {  	s2 =	sld [smem:$0x3F99];
	s0 =	simm.s32 @p1 $0x1  }
0x15: {  	[smem:$0x3FB6] =	sst s0;
	s0 =	simm.s32 @!p2 $0x0  }
0x16: {  	s3 =	sld [smem:$0x3FDB];
	s0 =	simm.s32 @p2 $0x1  }
0x17: {  	s4 =	simm.s32 $0x1BF5;
	[smem:$0x3FB8] =	sst s0  }
0x18: {  	s0 =	sld [smem:$0x3F9B];
	_ =	swait.ge [sflag:s4], $0x0  }
0x19: {  	s7 =	sld [smem:$0x3F9C]  }
0x1a: {  	s8 =	sadd.s32 $0xFFFFE003, lr  }
0x1b: {  	s9 =	sadd.s32 $0xFFFFFEF7, lr;
	s5 =	simm.s32 $0xFFFFFFFF;
	p2 =	slt.u32 s8, $0xFFFFF086  }
0x1c: {  	p1 =	slt.u32 s9, $0xF7A;
	s5 =	simm.s32 @!p2 $0x0  }
0x1d: {  	s5 =	simm.s32 @p1 $0x1;
	p0 =	seq.s32 s7, s2  }
0x1e: {  	s7 =	smul.u32 @!p0 $0xF7A, s2;
	p2 =	seq.s32 @!p0 s5, $0x0  }
0x1f: {  	s9 =	smul.u32 $0xF7A, s1;
	s8 =	simm.s32 @!p0 $0x1BF5;
	p2 =	por !p2, p0  }
0x20: {  	[sflag:s8] =	ssyncset.s32 @!p0 $0xFFFFF086;
	s6 =	sadd.s32 @!p0 s3, s7;
	s7 =	simm.s32 @!p0 $0x108  }
0x21: {  	s3 =	sadd.s32 s3, s9;
	s6 =	sadd.s32 @!p0 $0x88, s6;
	s7 =	simm.s32 @p2 $0x1082  }
0x22: {  	[simem:s7], [sflag:s8] =	dma.local @!p0 [hbm:s6], $0xF7A  }
0x23: {  	s9 =	sor.u32 $0xD0000000, s2;
	s6 =	simm.s32 $0x108;
	_ =	swait.ge @!p0 [sflag:s8], $0x0  }
0x24: {  	s3 =	sadd.s32 $0x88, s3;
	s6 =	simm.s32 @!p1 $0x1082;
	[sflag:s4] =	ssyncset.s32 $0xFFFFF086  }
0x25: {  	[simem:s6], [sflag:s4] =	dma.local [hbm:s3], $0xF7A  }
0x26: {  	[smem:$0x3F9C] =	sst s1;
	(tag) =	ssettag s2;
	_ =	strace s9  }
0x27: {  	s1 =	sld [smem:$0x3FAC]  }
0x28: {  	s2 =	sld [smem:$0x3FAD]  }
0x29: {  	s4 =	sld [smem:$0x3FAF]  }
0x2a: {  	p0 =	seq.s32 s5, $0x0;
	s5 =	sld [smem:$0x3FB0]  }
0x2b: {  	s6 =	sld [smem:$0x3FB1]  }
0x2c: {  	s7 =	sld [smem:$0x3FB2]  }
0x2d: {  	s3 =	simm.s32 $0x108;
	s8 =	sld [smem:$0x3FB3]  }
0x2e: {  	s3 =	simm.s32 @!p0 $0x1082;
	s9 =	sld [smem:$0x3FB4]  }
0x2f: {  	lr =	sadd.s32 s0, s3;
	s0 =	sld [smem:$0x3FAB]  }
0x30: {  	s3 =	sld [smem:$0x3FAE]  }
0x31: {  	[smem:$0x3FB7] =	sst s10  }
0x32: {  	s10 =	sld [smem:$0x3FB5];
	_ =	sdelay $0x3  }
0x33: {  	p0 =	seq.s32 s10, $0x1;
	s10 =	sld [smem:$0x3FB7];
	_ =	sdelay $0x3  }
0x34: {  	[smem:$0x3FB7] =	sst s10  }
0x35: {  	s10 =	sld [smem:$0x3FB6];
	_ =	sdelay $0x3  }
0x36: {  	p1 =	seq.s32 s10, $0x1;
	s10 =	sld [smem:$0x3FB7];
	_ =	sdelay $0x3  }
0x37: {  	[smem:$0x3FB7] =	sst s10  }
0x38: {  	s10 =	sld [smem:$0x3FB8]  }
0x39: {  	_ = 	snop;
	(pc) =	sbr.ind lr, $3  }
0x3a: {  	_ = 	snop  }
0x3b: {  	_ = 	snop  }
0x3c: {  	p2 =	seq.s32 s10, $0x1;
	s10 =	sld [smem:$0x3FB7]  }
0x3d: {  	_ =	shalt  }
0x3e: {  	_ =	shalt  }
0x3f: {  	_ =	shalt  }
0x40: {  	_ =	shalt  }
0x41: {  	_ =	shalt  }
0x42: {  	_ =	shalt  }
0x43: {  	_ =	shalt  }
0x44: {  	_ =	shalt  }
0x45: {  	_ =	shalt  }
0x46: {  	_ =	shalt  }
0x47: {  	_ =	shalt  }
0x48: {  	_ =	shalt  }
0x49: {  	_ =	shalt  }
0x4a: {  	_ =	shalt  }
0x4b: {  	_ =	shalt  }
0x4c: {  	_ =	shalt  }
0x4d: {  	_ =	shalt  }
0x4e: {  	_ =	shalt  }
0x4f: {  	_ =	shalt  }
0x50: {  	_ =	shalt  }
0x51: {  	_ =	shalt  }
0x52: {  	_ =	shalt  }
0x53: {  	_ =	shalt  }
0x54: {  	_ =	shalt  }
0x55: {  	_ =	shalt  }
0x56: {  	_ =	shalt  }
0x57: {  	_ =	shalt  }
0x58: {  	_ =	shalt  }
0x59: {  	_ =	shalt  }
0x5a: {  	_ =	shalt  }
0x5b: {  	_ =	shalt  }
0x5c: {  	_ =	shalt  }
0x5d: {  	_ =	shalt  }
0x5e: {  	_ =	shalt  }
0x5f: {  	_ =	shalt  }
0x60: {  	_ =	shalt  }
0x61: {  	_ =	shalt  }
0x62: {  	_ =	shalt  }
0x63: {  	_ =	shalt  }
0x64: {  	_ =	shalt  }
0x65: {  	_ =	shalt  }
0x66: {  	_ =	shalt  }
0x67: {  	_ =	shalt  }
0x68: {  	_ =	shalt  }
0x69: {  	_ =	shalt  }
0x6a: {  	_ =	shalt  }
0x6b: {  	_ =	shalt  }
0x6c: {  	_ =	shalt  }
0x6d: {  	_ =	shalt  }
0x6e: {  	_ =	shalt  }
0x6f: {  	_ =	shalt  }
0x70: {  	_ =	shalt  }
0x71: {  	_ =	shalt  }
0x72: {  	_ =	shalt  }
0x73: {  	_ =	shalt  }
0x74: {  	_ =	shalt  }
0x75: {  	_ =	shalt  }
0x76: {  	_ =	shalt  }
0x77: {  	_ =	shalt  }
0x78: {  	_ =	shalt  }
0x79: {  	_ =	shalt  }
0x7a: {  	_ =	shalt  }
0x7b: {  	_ =	shalt  }
0x7c: {  	_ =	shalt  }
0x7d: {  	_ =	shalt  }
0x7e: {  	_ =	shalt  }
0x7f: {  	_ =	shalt  }
0x80: {  	_ =	shalt  }
0x81: {  	_ =	shalt  }
0x82: {  	_ =	shalt  }
0x83: {  	_ =	shalt  }
0x84: {  	_ =	shalt  }
0x85: {  	_ =	shalt  }
0x86: {  	_ =	shalt  }
0x87: {  	_ =	shalt  }
.Lfunc_end0:
.L_simem_size_0:
called_computation_lowered:
.L_overlay_start_0:
0x88: {  	s2 =	sld [smem:$0x3FD9]  }
0x89: {  	s3 =	sld [smem:$0x3FFE];
	_ =	sdelay $0x1  }
0x8a: {  	s1 =	srdreg.scid  }
0x8b: {  	s0 =	sand.u32 $0x1, s1  }
0x8c: {  	s17 =	sshll.u32 s0, $0xA;
	s2 =	sadd.s32 s3, s2  }
0x8d: {  	s2 =	sadd.s32 s2, s17  }
0x8e: {  	[smem:$0x3FC3] =	sst s2  }
0x8f: {  	_ = 	snop  }
0x90: {  	s2 =	sld [smem:$0x3FC8];
	(tm) =	ssettm $0x1  }
0x91: {  	s18 =	sld [smem:$0x3FFB];
	_ =	sdelay $0x3  }
0x92: {  	_ =	strace s18  }
0x93: {  	s3 =	sld [smem:$0x3FFC];
	_ =	sdelay $0x3  }
0x94: {  	_ =	strace s3  }
0x95: {  	s3 =	sld [smem:$0x3FFD];
	_ =	sdelay $0x3  }
0x96: {  	_ =	strace s3  }
0x97: {  	_ =	strace $0x8FFFFFFF  }
0x98: {  	s19 =	sld [smem:$0x3FDB];
	_ =	sdelay $0x1  }
0x99: {  	s4 =	simm.s32 $_scs_section_size  }
0x9a: {  	s5 =	simm.s32 $_size__tile_overlayer_lowered;
	s6 =	simm.s32 $_tile_overlayer_lowered  }
0x9b: {  	s22 =	simm.s32 $0x1BFF;
	s21 =	sshll.u32 s6, $0x1;
	s3 =	sadd.s32 s4, s19  }
0x9c: {  	s7 =	simm.s32 $0x0;
	s20 =	sshll.u32 s5, $0x1;
	s5 =	sadd.s32 s21, s3  }
0x9d: {  	[timem:s7], [sflag:s22] =	dma.local [hbm:s5], s20  }
0x9e: {  	_ =	swait.ge [sflag:s22], s20  }
0x9f: {  	s4 =	ssub.s32 $0x0, s20;
	[sflag:s22] =	ssyncset.done $0x0  }
0xa0: {  	[sflag:s22] =	ssyncadd.s32 s4;
	_ =	sdelay $0x1  }
0xa1: {  	s23 =	simm.s32 $0x1B8B  }
0xa2: {  	_ =	swait.ge [sflag:s23], $0x1  }
0xa3: {  	[sflag:s23] =	ssyncset.done $0x0  }
0xa4: {  	s25 =	simm.s32 $0x1B8E;
	s24 =	sld [smem:$0x3FFE];
	[sflag:s23] =	ssyncadd.s32 $0xFFFFFFFF  }
0xa5: {  	s26 =	simm.s32 $execute0_lowered;
	[smem:$0x3FD2] =	sst s25  }
0xa6: {  	s5 =	sshll.u32 s26, $0x1;
	_ =	strace $0x80000046;
	[dreg:$0x1] =	wrdreg $0xFFFFFFFF  }
0xa7: {  	s28 =	simm.s32 $_size_execute0_lowered;
	s3 =	sadd.s32 s3, s5;
	[dreg:$0x0] =	wrdreg $0x0  }
0xa8: {  	s5 =	sshll.u32 s28, $0x1;
	[dreg:$0x2] =	wrdreg s3  }
0xa9: {  	[dreg:$0x3] =	wrdreg s5  }
0xaa: {  	[dreg:$0x4] =	wrdreg $0xC0  }
0xab: {  	_ =	task [dreg:s7], $0x5FFFF  }
0xac: {  	[dreg:$0x1] =	wrdreg $0xFFFFFFFF  }
0xad: {  	[dreg:$0x0] =	wrdreg $0x60  }
0xae: {  	[dreg:$0x2] =	wrdreg s2  }
0xaf: {  	[dreg:$0x3] =	wrdreg s24  }
0xb0: {  	[dreg:$0x4] =	wrdreg $0x9  }
0xb1: {  	_ =	task.clear_ibuf [dreg:s7], $0x5FFFF;
	_ =	strace $0x90000046  }
0xb2: {  	s29 =	simm.s32 $0x9;
	_ =	strace $0x80000048  }
0xb3: {  	_ =	swait.ge [sflag:s29], $0x1  }
0xb4: {  	[sflag:s29] =	ssyncadd.s32 $0xFFFFFFFF  }
0xb5: {  	_ =	strace $0x90000048  }
0xb6: {  	_ =	sfence  }
0xb7: {  	s30 =	sld [smem:$0x0];
	_ =	sdelay $0x2  }
0xb8: {  	s31 =	sshll.u32 s1, $0xD;
	s1 =	sshrl.u32 s1, $0x2  }
0xb9: {  	s3 =	sand.u32 $0x4000, s31;
	s1 =	sadd.s32 s1, s30  }
0xba: {  	s0 =	sor.u32 s3, s0;
	s1 =	sshll.u32 s1, $0x11  }
0xbb: {  	s0 =	sor.u32 s1, s0  }
0xbc: {  	s0 =	sadd.s32 $0x8F2B, s0  }
0xbd: {  	[sflag:s0] =	ssyncadd.remote.s32 $0x1  }
0xbe: {  	_ =	sfence.sel $0xFFFF  }
0xbf: {  	[dreg:$0x0] =	wrdreg $0xFFFFFFFF;
	(pc) =	sbr.abs _section_cstart, $3  }
0xc0: {  	[dreg:$0x1] =	wrdreg $0xFFFFFFFF  }
0xc1: {  	_ =	task.clear_ibuf [dreg:s7], $0x2FFFF;
	_ =	strace $0x9FFFFFFF  }
0xc2: {  	(tm) =	ssettm $0x7FFFFFFF  }
0xc3: {  	_ =	shalt  }
tec
execute0_lowered:
.L_overlay_start_1:
0x0: {  	(tag) =	ssettag $0x1  }
0x1: {  	s1 =	srdreg.scid  }
0x2: {  	s13 =	rddreg [dreg:$0x0];
	s0 =	stileid.u32;
	s14 =	sand.u32 $0x1, s1  }
0x3: {  	s8 =	rddreg [dreg:$0x1];
	s3 =	sshll.u32 s0, $0xE;
	s4 =	sshll.u32 s14, $0xD  }
0x4: {  	s2 =	simm.s32 $0x0;
	s1 =	rddreg [dreg:$0x2];
	s15 =	sor.u32 s4, s3  }
0x5: {  	[smem:$0x7FF] =	sst s2;
	s3 =	sshrl.u32 s15, $0x3  }
0x6: {  	_ =	strace $0x80000047;
	s4 =	sadd.s32 s13, s3;
	s3 =	simm.s32 $0x2  }
0x7: {  	[tilespmem:s2], [sflag:$0x2] =	stream.linear.gather [hbm4b:s4+s2], $0x800, $0x38;
	[tilespmem:$0x8800] =	vst v63  }
0x8: {  	_ =	swait.ge [sflag:s3], $0x800  }
0x9: {  	s6 =	simm.s32 $0x800;
	[sflag:s3] =	ssyncset.done $0x0  }
0xa: {  	s7 =	simm.s32 $0x1;
	s5 =	sadd.s32 $0xF43000, s8;
	[sflag:s3] =	ssyncadd.s32 $0xFFFFF800  }
0xb: {  	[tilespmem:s6], [sflag:$0x1] =	stream.indirect.gather [hbm4b:s5+s6], $0x10, s2, s6, $0xb8;
	[tilespmem:$0x8800] =	vst v63  }
0xc: {  	_ =	swait.ge [sflag:s7], $0x8000  }
0xd: {  	s16 =	sadd.s32 $0xC00, s8;
	s28 =	sshll.u32 s15, $0x1;
	[sflag:s7] =	ssyncset.done $0x0  }
0xe: {  	s8 =	sadd.s32 s16, s28;
	[sflag:s7] =	ssyncadd.s32 $0xFFFF8000  }
0xf: {  	[hbm4b:s8+s2] =	stream.linear.scatter [tilespmem:s6], [sflag:$0x2], $0x8000, $0x38;
	[tilespmem:$0x8800] =	vst v63  }
0x10: {  	s10 =	sor.u32 $0x800, s15;
	_ =	swait.ge [sflag:s3], $0x8000  }
0x11: {  	s9 =	sshrl.u32 s10, $0x3;
	[sflag:s3] =	ssyncset.done $0x0  }
0x12: {  	s9 =	sadd.s32 s13, s9;
	[sflag:s3] =	ssyncadd.s32 $0xFFFF8000  }
0x13: {  	[tilespmem:s2], [sflag:$0x2] =	stream.linear.gather [hbm4b:s9+s2], $0x800, $0x38;
	[tilespmem:$0x8800] =	vst v63  }
0x14: {  	_ =	swait.ge [sflag:s3], $0x800  }
0x15: {  	[sflag:s3] =	ssyncset.done $0x0  }
0x16: {  	[sflag:s3] =	ssyncadd.s32 $0xFFFFF800  }
0x17: {  	[tilespmem:s6], [sflag:$0x1] =	stream.indirect.gather [hbm4b:s5+s6], $0x10, s2, s6, $0xb8;
	[tilespmem:$0x8800] =	vst v63  }
0x18: {  	_ =	swait.ge [sflag:s7], $0x8000  }
0x19: {  	s10 =	sshll.u32 s10, $0x1;
	[sflag:s7] =	ssyncset.done $0x0  }
0x1a: {  	s10 =	sadd.s32 s16, s10;
	[sflag:s7] =	ssyncadd.s32 $0xFFFF8000  }
0x1b: {  	[hbm4b:s10+s2] =	stream.linear.scatter [tilespmem:s6], [sflag:$0x2], $0x8000, $0x38;
	[tilespmem:$0x8800] =	vst v63  }
0x1c: {  	s12 =	sor.u32 $0x1000, s15;
	_ =	swait.ge [sflag:s3], $0x8000  }
0x1d: {  	s11 =	sshrl.u32 s12, $0x3;
	[sflag:s3] =	ssyncset.done $0x0  }
0x1e: {  	s11 =	sadd.s32 s13, s11;
	[sflag:s3] =	ssyncadd.s32 $0xFFFF8000  }
0x1f: {  	[tilespmem:s2], [sflag:$0x2] =	stream.linear.gather [hbm4b:s11+s2], $0x800, $0x38;
	[tilespmem:$0x8800] =	vst v63  }
0x20: {  	_ =	swait.ge [sflag:s3], $0x800  }
0x21: {  	[sflag:s3] =	ssyncset.done $0x0  }
0x22: {  	[sflag:s3] =	ssyncadd.s32 $0xFFFFF800  }
0x23: {  	[tilespmem:s6], [sflag:$0x1] =	stream.indirect.gather [hbm4b:s5+s6], $0x10, s2, s6, $0xb8;
	[tilespmem:$0x8800] =	vst v63  }
0x24: {  	_ =	swait.ge [sflag:s7], $0x8000  }
0x25: {  	s12 =	sshll.u32 s12, $0x1;
	[sflag:s7] =	ssyncset.done $0x0  }
0x26: {  	s12 =	sadd.s32 s16, s12;
	[sflag:s7] =	ssyncadd.s32 $0xFFFF8000  }
0x27: {  	[hbm4b:s12+s2] =	stream.linear.scatter [tilespmem:s6], [sflag:$0x2], $0x8000, $0x38;
	[tilespmem:$0x8800] =	vst v63  }
0x28: {  	s15 =	sor.u32 $0x1800, s15;
	_ =	swait.ge [sflag:s3], $0x8000  }
0x29: {  	s17 =	sshrl.u32 s15, $0x3;
	[sflag:s3] =	ssyncset.done $0x0  }
0x2a: {  	s14 =	ssub.s32 $0x2, s14;
	s13 =	sadd.s32 s13, s17;
	[sflag:s3] =	ssyncadd.s32 $0xFFFF8000  }
0x2b: {  	[tilespmem:s2], [sflag:$0x2] =	stream.linear.gather [hbm4b:s13+s2], $0x800, $0x38;
	[tilespmem:$0x8800] =	vst v63  }
0x2c: {  	s29 =	sshrl.u32 s14, $0x1;
	_ =	swait.ge [sflag:s3], $0x800  }
0x2d: {  	s17 =	ssub.s32 s14, s29;
	[sflag:s3] =	ssyncset.done $0x0  }
0x2e: {  	s31 =	smax.u32 s17, $0x1;
	[sflag:s3] =	ssyncadd.s32 $0xFFFFF800  }
0x2f: {  	[tilespmem:s6], [sflag:$0x1] =	stream.indirect.gather [hbm4b:s5+s6], $0x10, s2, s6, $0xb8;
	[tilespmem:$0x8800] =	vst v63  }
0x30: {  	p0 =	sne.s32 s31, $0x1;
	_ =	swait.ge [sflag:s7], $0x8000  }
.Ltmp0:
0x31: {  	s30 =	sshll.u32 s15, $0x1;
	[sflag:s7] =	ssyncset.done $0x0;
	(pc) =	sbr.rel @!p0 .LBB2_2-.Ltmp0, $4  }
0x32: {  	s14 =	sadd.s32 s16, s30;
	[sflag:s7] =	ssyncadd.s32 $0xFFFF8000  }
0x33: {  	[hbm4b:s14+s2] =	stream.linear.scatter [tilespmem:s6], [sflag:$0x2], $0x8000, $0x38;
	[tilespmem:$0x8800] =	vst v63  }
0x34: {  	_ =	swait.ge [sflag:s3], $0x8000  }
0x35: {  	s15 =	sadd.s32 $0xFFFFFFFF, s31;
	[sflag:s3] =	ssyncset.done $0x0  }
.LBB2_1:
0x36: {  	p0 =	sne.s32 s15, $0x1;
	s15 =	sadd.s32 $0xFFFFFFFF, s15;
	[sflag:s3] =	ssyncadd.s32 $0xFFFF8000  }
0x37: {  	[tilespmem:s2], [sflag:$0x2] =	stream.linear.gather [hbm4b:s4+s2], $0x800, $0x38;
	[tilespmem:$0x8800] =	vst v63  }
0x38: {  	_ =	swait.ge [sflag:s3], $0x800  }
0x39: {  	[sflag:s3] =	ssyncset.done $0x0  }
0x3a: {  	[sflag:s3] =	ssyncadd.s32 $0xFFFFF800  }
0x3b: {  	[tilespmem:s6], [sflag:$0x1] =	stream.indirect.gather [hbm4b:s5+s6], $0x10, s2, s6, $0xb8;
	[tilespmem:$0x8800] =	vst v63  }
0x3c: {  	_ =	swait.ge [sflag:s7], $0x8000  }
0x3d: {  	[sflag:s7] =	ssyncset.done $0x0  }
0x3e: {  	[sflag:s7] =	ssyncadd.s32 $0xFFFF8000  }
0x3f: {  	[hbm4b:s8+s2] =	stream.linear.scatter [tilespmem:s6], [sflag:$0x2], $0x8000, $0x38;
	[tilespmem:$0x8800] =	vst v63  }
0x40: {  	_ =	swait.ge [sflag:s3], $0x8000  }
0x41: {  	[sflag:s3] =	ssyncset.done $0x0  }
0x42: {  	[sflag:s3] =	ssyncadd.s32 $0xFFFF8000  }
0x43: {  	[tilespmem:s2], [sflag:$0x2] =	stream.linear.gather [hbm4b:s9+s2], $0x800, $0x38;
	[tilespmem:$0x8800] =	vst v63  }
0x44: {  	_ =	swait.ge [sflag:s3], $0x800  }
0x45: {  	[sflag:s3] =	ssyncset.done $0x0  }
0x46: {  	[sflag:s3] =	ssyncadd.s32 $0xFFFFF800  }
0x47: {  	[tilespmem:s6], [sflag:$0x1] =	stream.indirect.gather [hbm4b:s5+s6], $0x10, s2, s6, $0xb8;
	[tilespmem:$0x8800] =	vst v63  }
0x48: {  	_ =	swait.ge [sflag:s7], $0x8000  }
0x49: {  	[sflag:s7] =	ssyncset.done $0x0  }
0x4a: {  	[sflag:s7] =	ssyncadd.s32 $0xFFFF8000  }
0x4b: {  	[hbm4b:s10+s2] =	stream.linear.scatter [tilespmem:s6], [sflag:$0x2], $0x8000, $0x38;
	[tilespmem:$0x8800] =	vst v63  }
0x4c: {  	_ =	swait.ge [sflag:s3], $0x8000  }
0x4d: {  	[sflag:s3] =	ssyncset.done $0x0  }
0x4e: {  	[sflag:s3] =	ssyncadd.s32 $0xFFFF8000  }
0x4f: {  	[tilespmem:s2], [sflag:$0x2] =	stream.linear.gather [hbm4b:s11+s2], $0x800, $0x38;
	[tilespmem:$0x8800] =	vst v63  }
0x50: {  	_ =	swait.ge [sflag:s3], $0x800  }
0x51: {  	[sflag:s3] =	ssyncset.done $0x0  }
0x52: {  	[sflag:s3] =	ssyncadd.s32 $0xFFFFF800  }
0x53: {  	[tilespmem:s6], [sflag:$0x1] =	stream.indirect.gather [hbm4b:s5+s6], $0x10, s2, s6, $0xb8;
	[tilespmem:$0x8800] =	vst v63  }
0x54: {  	_ =	swait.ge [sflag:s7], $0x8000  }
0x55: {  	[sflag:s7] =	ssyncset.done $0x0  }
0x56: {  	[sflag:s7] =	ssyncadd.s32 $0xFFFF8000  }
0x57: {  	[hbm4b:s12+s2] =	stream.linear.scatter [tilespmem:s6], [sflag:$0x2], $0x8000, $0x38;
	[tilespmem:$0x8800] =	vst v63  }
0x58: {  	_ =	swait.ge [sflag:s3], $0x8000  }
0x59: {  	[sflag:s3] =	ssyncset.done $0x0  }
0x5a: {  	[sflag:s3] =	ssyncadd.s32 $0xFFFF8000  }
0x5b: {  	[tilespmem:s2], [sflag:$0x2] =	stream.linear.gather [hbm4b:s13+s2], $0x800, $0x38;
	[tilespmem:$0x8800] =	vst v63  }
0x5c: {  	_ =	swait.ge [sflag:s3], $0x800  }
0x5d: {  	[sflag:s3] =	ssyncset.done $0x0  }
0x5e: {  	[sflag:s3] =	ssyncadd.s32 $0xFFFFF800  }
0x5f: {  	[tilespmem:s6], [sflag:$0x1] =	stream.indirect.gather [hbm4b:s5+s6], $0x10, s2, s6, $0xb8;
	[tilespmem:$0x8800] =	vst v63  }
0x60: {  	_ =	swait.ge [sflag:s7], $0x8000  }
.Ltmp1:
0x61: {  	[sflag:s7] =	ssyncset.done $0x0;
	(pc) =	sbr.rel @p0 .LBB2_1-.Ltmp1, $4  }
0x62: {  	[sflag:s7] =	ssyncadd.s32 $0xFFFF8000  }
0x63: {  	[hbm4b:s14+s2] =	stream.linear.scatter [tilespmem:s6], [sflag:$0x2], $0x8000, $0x38;
	[tilespmem:$0x8800] =	vst v63  }
0x64: {  	_ =	swait.ge [sflag:s3], $0x8000  }
0x65: {  	[sflag:s3] =	ssyncset.done $0x0  }
.LBB2_2:
0x66: {  	[sflag:s3] =	ssyncadd.s32 $0xFFFF8000  }
0x67: {  	_ =	sfence.sel $0x180000  }
0x68: {  	[bflag:$0x0] =	sbarrier.arrive $0xFFFF  }
0x69: {  	p0 =	sne.s32 s0, $0x0;
	_ =	strace $0x90000047  }
0x6a: {  	s0 =	sadd.s32 @!p0 $0x100000, s1;
	[bflag:$0x2] =	sbarrier.arrive $0xFFFF  }
0x6b: {  	[sflag:s0] =	ssyncadd.tile.s32 @!p0 $0x1;
	_ =	shalt  }
.Lfunc_end2:
_tile_overlayer_lowered:
.L_overlay_start_2:
0x6c: {  	(tag) =	ssettag $0x2  }
0x6d: {  	s0 =	rddreg [dreg:$0x0];
	s2 =	stileid.u32  }
0x6e: {  	s1 =	rddreg [dreg:$0x1];
	p0 =	sne.s32 s2, $0x0  }
0x6f: {  	s3 =	rddreg [dreg:$0x2];
	[bflag:$0x3] =	sbarrier.arrive $0xFFFF;
	s2 =	simm.s32 @!p0 $0x1C02  }
0x70: {  	[timem:s3], [sflag:s2] =	dma.local @!p0 [hbm:s0], s1  }
0x71: {  	s0 =	simm.s32 @!p0 $0x2  }
0x72: {  	_ =	swait.ge @!p0 [sflag:s0], s1  }
0x73: {  	s1 =	ssub.s32 @!p0 $0x0, s1;
	[sflag:s0] =	ssyncset.done @!p0 $0x0  }
0x74: {  	[sflag:s0] =	ssyncadd.s32 @!p0 s1  }
0x75: {  	[bflag:$0x3] =	sbarrier.arrive $0xFFFF  }
0x76: {  	_ =	shalt  }

</sc_bundles>
